<compile_context>
chip_gen: v7x
topology: tpu7x:2x2x1
jax: 0.10.2.dev20260603
libtpu: 0.0.44.dev20260713+nightly
codegen_flags: <defaults>
</compile_context>

<pallas_src>
import functools

import jax
import jax.numpy as jnp
from jax import lax
from jax.experimental import pallas as pl
from jax.experimental.pallas import tpu as pltpu
from jax.experimental.pallas import tpu_sc as plsc

_CHUNK = 64
_NBUF = 8
_LOOK = 6


@functools.lru_cache(maxsize=None)
def _build(n_rows: int, vocab: int, dim: int):
    NC, NS = 2, 16
    NW = NC * NS
    n_chunks = n_rows // (NW * _CHUNK)

    mesh = plsc.VectorSubcoreMesh(
        core_axis_name="c", subcore_axis_name="s",
        num_cores=NC, num_subcores=NS)

    @functools.partial(
        pl.kernel,
        out_type=jax.ShapeDtypeStruct(
            (NW, n_chunks, _CHUNK, dim), jnp.float32),
        mesh=mesh,
        scratch_types=(
            [pltpu.VMEM((n_chunks, _CHUNK), jnp.int32)]
            + [pltpu.VMEM((_CHUNK, dim), jnp.float32)
               for _ in range(_NBUF)]
            + [pltpu.SemaphoreType.DMA for _ in range(_NBUF)]
        ),
    )
    def gather_kernel(x_hbm, table_hbm, out_hbm, idx_v, *rest):
        rows = rest[:_NBUF]
        gsem = rest[_NBUF:2 * _NBUF]
        wid = lax.axis_index("s") * NC + lax.axis_index("c")

        pltpu.sync_copy(x_hbm.at[wid], idx_v)

        def start_gather(j, b):
            pltpu.async_copy(table_hbm.at[idx_v.at[j]], rows[b], gsem[b])

        def wait_gather(j, b):
            pltpu.make_async_copy(
                table_hbm.at[idx_v.at[j]], rows[b], gsem[b]).wait()

        for b in range(_LOOK):
            start_gather(b, b)

        @pl.loop(0, n_chunks, step=_NBUF)
        def _(j0):
            for b in range(_NBUF):
                j = j0 + b
                jn = j + _LOOK
                bf = (b + _LOOK) % _NBUF

                @pl.when(jn < n_chunks)
                def _():
                    start_gather(jn, bf)

                wait_gather(j, b)

        ssem = gsem[0]
        pltpu.async_copy(rows[0], out_hbm.at[wid, 0], ssem)
        pltpu.make_async_copy(rows[0], out_hbm.at[wid, 0], ssem).wait()

    return gather_kernel


def kernel(x, table):
    n_rows = x.shape[0] * x.shape[1]
    vocab, dim = table.shape
    NW = 32
    n_chunks = n_rows // (NW * _CHUNK)
    x3 = jnp.reshape(x, (NW, n_chunks, _CHUNK))
    out = _build(n_rows, vocab, dim)(x3, table)
    return jnp.reshape(out, (x.shape[0], x.shape[1], dim))

# --- scband reference (transcript-rebuilt; emitter-appended) ---
"""Pipeline reference for scband-text-embeddings-11390253269608 (READ-ONLY COPY).

The authoritative reference and input builder live on the scoring server;
editing this copy changes nothing except your own understanding.
"""

import jax, jax.numpy as jnp
import numpy as np

VOCAB = 100000
DIM = 128

def setup_inputs(seed: int = 0) -> dict:
    key = jax.random.key(seed)
    k1, k2 = jax.random.split(key)
    x = jax.random.randint(k1, (4096, 200), 0, VOCAB, dtype=jnp.int32)
    table = jax.random.normal(k2, (VOCAB, DIM), dtype=jnp.float32)
    # padding_idx=0: torch initializes the padding row to zeros
    table = table.at[0].set(0.0)
    return {"x": x, "table": table}

def reference(x, table):
    # nn.Embedding forward == row gather from the table
    return jnp.take(table, x, axis=0)

if __name__ == "__main__":
    import jax
    _d = setup_inputs()
    print(jax.jit(kernel)(*tuple(_d.values())))

</pallas_src>

<mosaic_0001>
#map = affine_map<(d0, d1) -> (0, 0, 0)>
#map1 = affine_map<(d0, d1) -> (0, 0)>
#map2 = affine_map<(d0, d1) -> (0, 0, 0, 0)>
module attributes {stable_mosaic.version = 14 : i64} {
  func.func @gather_kernel(%arg0: i32, %arg1: i32, %arg2: memref<32x400x64xi32, #tpu.memory_space<hbm>>, %arg3: memref<100000x128xf32, #tpu.memory_space<hbm>>, %arg4: memref<32x400x64x128xf32, #tpu.memory_space<hbm>>, %arg5: memref<400x64xi32, #tpu.memory_space<vmem>>, %arg6: memref<64x128xf32, #tpu.memory_space<vmem>>, %arg7: memref<64x128xf32, #tpu.memory_space<vmem>>, %arg8: memref<64x128xf32, #tpu.memory_space<vmem>>, %arg9: memref<64x128xf32, #tpu.memory_space<vmem>>, %arg10: memref<64x128xf32, #tpu.memory_space<vmem>>, %arg11: memref<64x128xf32, #tpu.memory_space<vmem>>, %arg12: memref<64x128xf32, #tpu.memory_space<vmem>>, %arg13: memref<64x128xf32, #tpu.memory_space<vmem>>, %arg14: memref<!tpu.dma_semaphore, #tpu.memory_space<semaphore_mem>>, %arg15: memref<!tpu.dma_semaphore, #tpu.memory_space<semaphore_mem>>, %arg16: memref<!tpu.dma_semaphore, #tpu.memory_space<semaphore_mem>>, %arg17: memref<!tpu.dma_semaphore, #tpu.memory_space<semaphore_mem>>, %arg18: memref<!tpu.dma_semaphore, #tpu.memory_space<semaphore_mem>>, %arg19: memref<!tpu.dma_semaphore, #tpu.memory_space<semaphore_mem>>, %arg20: memref<!tpu.dma_semaphore, #tpu.memory_space<semaphore_mem>>, %arg21: memref<!tpu.dma_semaphore, #tpu.memory_space<semaphore_mem>>) attributes {dimension_semantics = [#tpu.dimension_semantics<core_parallel>, #tpu.dimension_semantics<subcore_parallel>], iteration_bounds = array<i64: 2, 16>, scalar_prefetch = 0 : i64, scratch_operands = 17 : i64, tpu.core_type = #tpu.core_type<sc_vector_subcore>, window_params = [{transform_indices = #map}, {transform_indices = #map1}, {transform_indices = #map2}]} {
    %mul3A = arith.constant 2 : i32
    %mul3A_0 = arith.muli %arg1, %mul3A : i32
    %add3A = arith.addi %mul3A_0, %arg0 : i32
    "tpu.region"() ({
      %run_scoped3A = tpu.sem_alloc : memref<!tpu.dma_semaphore, #tpu.memory_space<semaphore_mem>>
      %dma_start3A_63 = arith.constant 0 : i32
      %dma_start3A_64 = arith.constant 0 : i32
      %dma_start3A_65 = tpu.memref_slice %arg2[%add3A, %dma_start3A_63, %dma_start3A_64] : memref<32x400x64xi32, #tpu.memory_space<hbm>> -> memref<1x400x64xi32, #tpu.memory_space<hbm>>
      %dma_start3A_66 = tpu.memref_squeeze %dma_start3A_65 : memref<1x400x64xi32, #tpu.memory_space<hbm>> -> memref<400x64xi32, #tpu.memory_space<hbm>>
      %dma_start3A_67 = arith.constant 0 : i32
      %dma_start3A_68 = arith.constant 0 : i32
      %dma_start3A_69 = tpu.memref_slice %arg2[%add3A, %dma_start3A_67, %dma_start3A_68] : memref<32x400x64xi32, #tpu.memory_space<hbm>> -> memref<1x400x64xi32, #tpu.memory_space<hbm>>
      %dma_start3A_70 = tpu.memref_squeeze %dma_start3A_69 : memref<1x400x64xi32, #tpu.memory_space<hbm>> -> memref<400x64xi32, #tpu.memory_space<hbm>>
      tpu.enqueue_dma source(%dma_start3A_70 : memref<400x64xi32, #tpu.memory_space<hbm>>) target(%arg5 : memref<400x64xi32, #tpu.memory_space<vmem>>) target_semaphore(%run_scoped3A : memref<!tpu.dma_semaphore, #tpu.memory_space<semaphore_mem>>)
      %dma_wait3A_71 = arith.constant 0 : i32
      %dma_wait3A_72 = arith.constant 0 : i32
      %dma_wait3A_73 = tpu.memref_slice %arg2[%add3A, %dma_wait3A_71, %dma_wait3A_72] : memref<32x400x64xi32, #tpu.memory_space<hbm>> -> memref<1x400x64xi32, #tpu.memory_space<hbm>>
      %dma_wait3A_74 = tpu.memref_squeeze %dma_wait3A_73 : memref<1x400x64xi32, #tpu.memory_space<hbm>> -> memref<400x64xi32, #tpu.memory_space<hbm>>
      %dma_wait3A_75 = arith.constant 0 : i32
      %dma_wait3A_76 = arith.constant 0 : i32
      %dma_wait3A_77 = tpu.memref_slice %arg2[%add3A, %dma_wait3A_75, %dma_wait3A_76] : memref<32x400x64xi32, #tpu.memory_space<hbm>> -> memref<1x400x64xi32, #tpu.memory_space<hbm>>
      %dma_wait3A_78 = tpu.memref_squeeze %dma_wait3A_77 : memref<1x400x64xi32, #tpu.memory_space<hbm>> -> memref<400x64xi32, #tpu.memory_space<hbm>>
      tpu.wait_dma2 semaphore(%run_scoped3A : memref<!tpu.dma_semaphore, #tpu.memory_space<semaphore_mem>>) src(%dma_wait3A_78 : memref<400x64xi32, #tpu.memory_space<hbm>>) dst(%arg5 : memref<400x64xi32, #tpu.memory_space<vmem>>)
      tpu.yield
    }) : () -> ()
    %dma_start3A = arith.constant 0 : i32
    %dma_start3A_1 = arith.constant 0 : i32
    %dma_start3A_2 = tpu.memref_slice %arg5[%dma_start3A, %dma_start3A_1] : memref<400x64xi32, #tpu.memory_space<vmem>> -> memref<1x64xi32, #tpu.memory_space<vmem>>
    %dma_start3A_3 = tpu.memref_squeeze %dma_start3A_2 : memref<1x64xi32, #tpu.memory_space<vmem>> -> memref<64xi32, #tpu.memory_space<vmem>>
    %dma_start3A_4 = arith.constant 0 : i32
    %dma_start3A_5 = arith.constant 0 : i32
    %dma_start3A_6 = tpu.memref_slice %arg3[%dma_start3A_4, %dma_start3A_5] : memref<100000x128xf32, #tpu.memory_space<hbm>> -> memref<100000x128xf32, #tpu.memory_space<hbm>>
    tpu.enqueue_indirect_dma source(%dma_start3A_6 : memref<100000x128xf32, #tpu.memory_space<hbm>>) target(%arg6 : memref<64x128xf32, #tpu.memory_space<vmem>>) offsets(%dma_start3A_3 : memref<64xi32, #tpu.memory_space<vmem>>) semaphore(%arg14 : memref<!tpu.dma_semaphore, #tpu.memory_space<semaphore_mem>>)
    %dma_start3A_7 = arith.constant 1 : i32
    %dma_start3A_8 = arith.constant 0 : i32
    %dma_start3A_9 = tpu.memref_slice %arg5[%dma_start3A_7, %dma_start3A_8] : memref<400x64xi32, #tpu.memory_space<vmem>> -> memref<1x64xi32, #tpu.memory_space<vmem>>
    %dma_start3A_10 = tpu.memref_squeeze %dma_start3A_9 : memref<1x64xi32, #tpu.memory_space<vmem>> -> memref<64xi32, #tpu.memory_space<vmem>>
    %dma_start3A_11 = arith.constant 0 : i32
    %dma_start3A_12 = arith.constant 0 : i32
    %dma_start3A_13 = tpu.memref_slice %arg3[%dma_start3A_11, %dma_start3A_12] : memref<100000x128xf32, #tpu.memory_space<hbm>> -> memref<100000x128xf32, #tpu.memory_space<hbm>>
    tpu.enqueue_indirect_dma source(%dma_start3A_13 : memref<100000x128xf32, #tpu.memory_space<hbm>>) target(%arg7 : memref<64x128xf32, #tpu.memory_space<vmem>>) offsets(%dma_start3A_10 : memref<64xi32, #tpu.memory_space<vmem>>) semaphore(%arg15 : memref<!tpu.dma_semaphore, #tpu.memory_space<semaphore_mem>>)
    %dma_start3A_14 = arith.constant 2 : i32
    %dma_start3A_15 = arith.constant 0 : i32
    %dma_start3A_16 = tpu.memref_slice %arg5[%dma_start3A_14, %dma_start3A_15] : memref<400x64xi32, #tpu.memory_space<vmem>> -> memref<1x64xi32, #tpu.memory_space<vmem>>
    %dma_start3A_17 = tpu.memref_squeeze %dma_start3A_16 : memref<1x64xi32, #tpu.memory_space<vmem>> -> memref<64xi32, #tpu.memory_space<vmem>>
    %dma_start3A_18 = arith.constant 0 : i32
    %dma_start3A_19 = arith.constant 0 : i32
    %dma_start3A_20 = tpu.memref_slice %arg3[%dma_start3A_18, %dma_start3A_19] : memref<100000x128xf32, #tpu.memory_space<hbm>> -> memref<100000x128xf32, #tpu.memory_space<hbm>>
    tpu.enqueue_indirect_dma source(%dma_start3A_20 : memref<100000x128xf32, #tpu.memory_space<hbm>>) target(%arg8 : memref<64x128xf32, #tpu.memory_space<vmem>>) offsets(%dma_start3A_17 : memref<64xi32, #tpu.memory_space<vmem>>) semaphore(%arg16 : memref<!tpu.dma_semaphore, #tpu.memory_space<semaphore_mem>>)
    %dma_start3A_21 = arith.constant 3 : i32
    %dma_start3A_22 = arith.constant 0 : i32
    %dma_start3A_23 = tpu.memref_slice %arg5[%dma_start3A_21, %dma_start3A_22] : memref<400x64xi32, #tpu.memory_space<vmem>> -> memref<1x64xi32, #tpu.memory_space<vmem>>
    %dma_start3A_24 = tpu.memref_squeeze %dma_start3A_23 : memref<1x64xi32, #tpu.memory_space<vmem>> -> memref<64xi32, #tpu.memory_space<vmem>>
    %dma_start3A_25 = arith.constant 0 : i32
    %dma_start3A_26 = arith.constant 0 : i32
    %dma_start3A_27 = tpu.memref_slice %arg3[%dma_start3A_25, %dma_start3A_26] : memref<100000x128xf32, #tpu.memory_space<hbm>> -> memref<100000x128xf32, #tpu.memory_space<hbm>>
    tpu.enqueue_indirect_dma source(%dma_start3A_27 : memref<100000x128xf32, #tpu.memory_space<hbm>>) target(%arg9 : memref<64x128xf32, #tpu.memory_space<vmem>>) offsets(%dma_start3A_24 : memref<64xi32, #tpu.memory_space<vmem>>) semaphore(%arg17 : memref<!tpu.dma_semaphore, #tpu.memory_space<semaphore_mem>>)
    %dma_start3A_28 = arith.constant 4 : i32
    %dma_start3A_29 = arith.constant 0 : i32
    %dma_start3A_30 = tpu.memref_slice %arg5[%dma_start3A_28, %dma_start3A_29] : memref<400x64xi32, #tpu.memory_space<vmem>> -> memref<1x64xi32, #tpu.memory_space<vmem>>
    %dma_start3A_31 = tpu.memref_squeeze %dma_start3A_30 : memref<1x64xi32, #tpu.memory_space<vmem>> -> memref<64xi32, #tpu.memory_space<vmem>>
    %dma_start3A_32 = arith.constant 0 : i32
    %dma_start3A_33 = arith.constant 0 : i32
    %dma_start3A_34 = tpu.memref_slice %arg3[%dma_start3A_32, %dma_start3A_33] : memref<100000x128xf32, #tpu.memory_space<hbm>> -> memref<100000x128xf32, #tpu.memory_space<hbm>>
    tpu.enqueue_indirect_dma source(%dma_start3A_34 : memref<100000x128xf32, #tpu.memory_space<hbm>>) target(%arg10 : memref<64x128xf32, #tpu.memory_space<vmem>>) offsets(%dma_start3A_31 : memref<64xi32, #tpu.memory_space<vmem>>) semaphore(%arg18 : memref<!tpu.dma_semaphore, #tpu.memory_space<semaphore_mem>>)
    %dma_start3A_35 = arith.constant 5 : i32
    %dma_start3A_36 = arith.constant 0 : i32
    %dma_start3A_37 = tpu.memref_slice %arg5[%dma_start3A_35, %dma_start3A_36] : memref<400x64xi32, #tpu.memory_space<vmem>> -> memref<1x64xi32, #tpu.memory_space<vmem>>
    %dma_start3A_38 = tpu.memref_squeeze %dma_start3A_37 : memref<1x64xi32, #tpu.memory_space<vmem>> -> memref<64xi32, #tpu.memory_space<vmem>>
    %dma_start3A_39 = arith.constant 0 : i32
    %dma_start3A_40 = arith.constant 0 : i32
    %dma_start3A_41 = tpu.memref_slice %arg3[%dma_start3A_39, %dma_start3A_40] : memref<100000x128xf32, #tpu.memory_space<hbm>> -> memref<100000x128xf32, #tpu.memory_space<hbm>>
    tpu.enqueue_indirect_dma source(%dma_start3A_41 : memref<100000x128xf32, #tpu.memory_space<hbm>>) target(%arg11 : memref<64x128xf32, #tpu.memory_space<vmem>>) offsets(%dma_start3A_38 : memref<64xi32, #tpu.memory_space<vmem>>) semaphore(%arg19 : memref<!tpu.dma_semaphore, #tpu.memory_space<semaphore_mem>>)
    %scan3A = arith.constant 0 : i32
    %scan3A_42 = arith.constant 50 : i32
    %scan3A_43 = arith.addi %scan3A, %scan3A_42 : i32
    %scan3A_44 = arith.constant 1 : i32
    scf.for %scan3A_63 = %scan3A to %scan3A_43 step %scan3A_44  : i32 {
      %mul3A_64 = arith.constant 8 : i32
      %mul3A_65 = arith.muli %scan3A_63, %mul3A_64 : i32
      %add3A_66 = arith.constant 0 : i32
      %add3A_67 = arith.addi %add3A_66, %mul3A_65 : i32
      %add3A_68 = arith.constant 0 : i32
      %add3A_69 = arith.addi %add3A_67, %add3A_68 : i32
      %add3A_70 = arith.constant 6 : i32
      %add3A_71 = arith.addi %add3A_69, %add3A_70 : i32
      %lt3A = arith.constant 400 : i32
      %lt3A_72 = arith.cmpi slt, %add3A_71, %lt3A : i32
      %convert_element_type3A = arith.extui %lt3A_72 : i1 to i32
      %cond3A = arith.constant 0 : i32
      %cond3A_73 = arith.cmpi ne, %convert_element_type3A, %cond3A : i32
      scf.if %cond3A_73 {
        %dma_start3A_185 = arith.constant 0 : i32
        %dma_start3A_186 = tpu.memref_slice %arg5[%add3A_71, %dma_start3A_185] : memref<400x64xi32, #tpu.memory_space<vmem>> -> memref<1x64xi32, #tpu.memory_space<vmem>>
        %dma_start3A_187 = tpu.memref_squeeze %dma_start3A_186 : memref<1x64xi32, #tpu.memory_space<vmem>> -> memref<64xi32, #tpu.memory_space<vmem>>
        %dma_start3A_188 = arith.constant 0 : i32
        %dma_start3A_189 = arith.constant 0 : i32
        %dma_start3A_190 = tpu.memref_slice %arg3[%dma_start3A_188, %dma_start3A_189] : memref<100000x128xf32, #tpu.memory_space<hbm>> -> memref<100000x128xf32, #tpu.memory_space<hbm>>
        tpu.enqueue_indirect_dma source(%dma_start3A_190 : memref<100000x128xf32, #tpu.memory_space<hbm>>) target(%arg12 : memref<64x128xf32, #tpu.memory_space<vmem>>) offsets(%dma_start3A_187 : memref<64xi32, #tpu.memory_space<vmem>>) semaphore(%arg20 : memref<!tpu.dma_semaphore, #tpu.memory_space<semaphore_mem>>)
      } else {
      }
      %dma_wait3A_74 = arith.constant 0 : i32
      %dma_wait3A_75 = tpu.memref_slice %arg5[%add3A_69, %dma_wait3A_74] : memref<400x64xi32, #tpu.memory_space<vmem>> -> memref<1x64xi32, #tpu.memory_space<vmem>>
      %dma_wait3A_76 = tpu.memref_squeeze %dma_wait3A_75 : memref<1x64xi32, #tpu.memory_space<vmem>> -> memref<64xi32, #tpu.memory_space<vmem>>
      %dma_wait3A_77 = arith.constant 0 : i32
      %dma_wait3A_78 = arith.constant 0 : i32
      %dma_wait3A_79 = tpu.memref_slice %arg3[%dma_wait3A_77, %dma_wait3A_78] : memref<100000x128xf32, #tpu.memory_space<hbm>> -> memref<100000x128xf32, #tpu.memory_space<hbm>>
      tpu.wait_indirect_dma semaphore(%arg14 : memref<!tpu.dma_semaphore, #tpu.memory_space<semaphore_mem>>) src(%dma_wait3A_79 : memref<100000x128xf32, #tpu.memory_space<hbm>>) dst(%arg6 : memref<64x128xf32, #tpu.memory_space<vmem>>)
      %add3A_80 = arith.constant 1 : i32
      %add3A_81 = arith.addi %add3A_67, %add3A_80 : i32
      %add3A_82 = arith.constant 6 : i32
      %add3A_83 = arith.addi %add3A_81, %add3A_82 : i32
      %lt3A_84 = arith.constant 400 : i32
      %lt3A_85 = arith.cmpi slt, %add3A_83, %lt3A_84 : i32
      %convert_element_type3A_86 = arith.extui %lt3A_85 : i1 to i32
      %cond3A_87 = arith.constant 0 : i32
      %cond3A_88 = arith.cmpi ne, %convert_element_type3A_86, %cond3A_87 : i32
      scf.if %cond3A_88 {
        %dma_start3A_185 = arith.constant 0 : i32
        %dma_start3A_186 = tpu.memref_slice %arg5[%add3A_83, %dma_start3A_185] : memref<400x64xi32, #tpu.memory_space<vmem>> -> memref<1x64xi32, #tpu.memory_space<vmem>>
        %dma_start3A_187 = tpu.memref_squeeze %dma_start3A_186 : memref<1x64xi32, #tpu.memory_space<vmem>> -> memref<64xi32, #tpu.memory_space<vmem>>
        %dma_start3A_188 = arith.constant 0 : i32
        %dma_start3A_189 = arith.constant 0 : i32
        %dma_start3A_190 = tpu.memref_slice %arg3[%dma_start3A_188, %dma_start3A_189] : memref<100000x128xf32, #tpu.memory_space<hbm>> -> memref<100000x128xf32, #tpu.memory_space<hbm>>
        tpu.enqueue_indirect_dma source(%dma_start3A_190 : memref<100000x128xf32, #tpu.memory_space<hbm>>) target(%arg13 : memref<64x128xf32, #tpu.memory_space<vmem>>) offsets(%dma_start3A_187 : memref<64xi32, #tpu.memory_space<vmem>>) semaphore(%arg21 : memref<!tpu.dma_semaphore, #tpu.memory_space<semaphore_mem>>)
      } else {
      }
      %dma_wait3A_89 = arith.constant 0 : i32
      %dma_wait3A_90 = tpu.memref_slice %arg5[%add3A_81, %dma_wait3A_89] : memref<400x64xi32, #tpu.memory_space<vmem>> -> memref<1x64xi32, #tpu.memory_space<vmem>>
      %dma_wait3A_91 = tpu.memref_squeeze %dma_wait3A_90 : memref<1x64xi32, #tpu.memory_space<vmem>> -> memref<64xi32, #tpu.memory_space<vmem>>
      %dma_wait3A_92 = arith.constant 0 : i32
      %dma_wait3A_93 = arith.constant 0 : i32
      %dma_wait3A_94 = tpu.memref_slice %arg3[%dma_wait3A_92, %dma_wait3A_93] : memref<100000x128xf32, #tpu.memory_space<hbm>> -> memref<100000x128xf32, #tpu.memory_space<hbm>>
      tpu.wait_indirect_dma semaphore(%arg15 : memref<!tpu.dma_semaphore, #tpu.memory_space<semaphore_mem>>) src(%dma_wait3A_94 : memref<100000x128xf32, #tpu.memory_space<hbm>>) dst(%arg7 : memref<64x128xf32, #tpu.memory_space<vmem>>)
      %add3A_95 = arith.constant 2 : i32
      %add3A_96 = arith.addi %add3A_67, %add3A_95 : i32
      %add3A_97 = arith.constant 6 : i32
      %add3A_98 = arith.addi %add3A_96, %add3A_97 : i32
      %lt3A_99 = arith.constant 400 : i32
      %lt3A_100 = arith.cmpi slt, %add3A_98, %lt3A_99 : i32
      %convert_element_type3A_101 = arith.extui %lt3A_100 : i1 to i32
      %cond3A_102 = arith.constant 0 : i32
      %cond3A_103 = arith.cmpi ne, %convert_element_type3A_101, %cond3A_102 : i32
      scf.if %cond3A_103 {
        %dma_start3A_185 = arith.constant 0 : i32
        %dma_start3A_186 = tpu.memref_slice %arg5[%add3A_98, %dma_start3A_185] : memref<400x64xi32, #tpu.memory_space<vmem>> -> memref<1x64xi32, #tpu.memory_space<vmem>>
        %dma_start3A_187 = tpu.memref_squeeze %dma_start3A_186 : memref<1x64xi32, #tpu.memory_space<vmem>> -> memref<64xi32, #tpu.memory_space<vmem>>
        %dma_start3A_188 = arith.constant 0 : i32
        %dma_start3A_189 = arith.constant 0 : i32
        %dma_start3A_190 = tpu.memref_slice %arg3[%dma_start3A_188, %dma_start3A_189] : memref<100000x128xf32, #tpu.memory_space<hbm>> -> memref<100000x128xf32, #tpu.memory_space<hbm>>
        tpu.enqueue_indirect_dma source(%dma_start3A_190 : memref<100000x128xf32, #tpu.memory_space<hbm>>) target(%arg6 : memref<64x128xf32, #tpu.memory_space<vmem>>) offsets(%dma_start3A_187 : memref<64xi32, #tpu.memory_space<vmem>>) semaphore(%arg14 : memref<!tpu.dma_semaphore, #tpu.memory_space<semaphore_mem>>)
      } else {
      }
      %dma_wait3A_104 = arith.constant 0 : i32
      %dma_wait3A_105 = tpu.memref_slice %arg5[%add3A_96, %dma_wait3A_104] : memref<400x64xi32, #tpu.memory_space<vmem>> -> memref<1x64xi32, #tpu.memory_space<vmem>>
      %dma_wait3A_106 = tpu.memref_squeeze %dma_wait3A_105 : memref<1x64xi32, #tpu.memory_space<vmem>> -> memref<64xi32, #tpu.memory_space<vmem>>
      %dma_wait3A_107 = arith.constant 0 : i32
      %dma_wait3A_108 = arith.constant 0 : i32
      %dma_wait3A_109 = tpu.memref_slice %arg3[%dma_wait3A_107, %dma_wait3A_108] : memref<100000x128xf32, #tpu.memory_space<hbm>> -> memref<100000x128xf32, #tpu.memory_space<hbm>>
      tpu.wait_indirect_dma semaphore(%arg16 : memref<!tpu.dma_semaphore, #tpu.memory_space<semaphore_mem>>) src(%dma_wait3A_109 : memref<100000x128xf32, #tpu.memory_space<hbm>>) dst(%arg8 : memref<64x128xf32, #tpu.memory_space<vmem>>)
      %add3A_110 = arith.constant 3 : i32
      %add3A_111 = arith.addi %add3A_67, %add3A_110 : i32
      %add3A_112 = arith.constant 6 : i32
      %add3A_113 = arith.addi %add3A_111, %add3A_112 : i32
      %lt3A_114 = arith.constant 400 : i32
      %lt3A_115 = arith.cmpi slt, %add3A_113, %lt3A_114 : i32
      %convert_element_type3A_116 = arith.extui %lt3A_115 : i1 to i32
      %cond3A_117 = arith.constant 0 : i32
      %cond3A_118 = arith.cmpi ne, %convert_element_type3A_116, %cond3A_117 : i32
      scf.if %cond3A_118 {
        %dma_start3A_185 = arith.constant 0 : i32
        %dma_start3A_186 = tpu.memref_slice %arg5[%add3A_113, %dma_start3A_185] : memref<400x64xi32, #tpu.memory_space<vmem>> -> memref<1x64xi32, #tpu.memory_space<vmem>>
        %dma_start3A_187 = tpu.memref_squeeze %dma_start3A_186 : memref<1x64xi32, #tpu.memory_space<vmem>> -> memref<64xi32, #tpu.memory_space<vmem>>
        %dma_start3A_188 = arith.constant 0 : i32
        %dma_start3A_189 = arith.constant 0 : i32
        %dma_start3A_190 = tpu.memref_slice %arg3[%dma_start3A_188, %dma_start3A_189] : memref<100000x128xf32, #tpu.memory_space<hbm>> -> memref<100000x128xf32, #tpu.memory_space<hbm>>
        tpu.enqueue_indirect_dma source(%dma_start3A_190 : memref<100000x128xf32, #tpu.memory_space<hbm>>) target(%arg7 : memref<64x128xf32, #tpu.memory_space<vmem>>) offsets(%dma_start3A_187 : memref<64xi32, #tpu.memory_space<vmem>>) semaphore(%arg15 : memref<!tpu.dma_semaphore, #tpu.memory_space<semaphore_mem>>)
      } else {
      }
      %dma_wait3A_119 = arith.constant 0 : i32
      %dma_wait3A_120 = tpu.memref_slice %arg5[%add3A_111, %dma_wait3A_119] : memref<400x64xi32, #tpu.memory_space<vmem>> -> memref<1x64xi32, #tpu.memory_space<vmem>>
      %dma_wait3A_121 = tpu.memref_squeeze %dma_wait3A_120 : memref<1x64xi32, #tpu.memory_space<vmem>> -> memref<64xi32, #tpu.memory_space<vmem>>
      %dma_wait3A_122 = arith.constant 0 : i32
      %dma_wait3A_123 = arith.constant 0 : i32
      %dma_wait3A_124 = tpu.memref_slice %arg3[%dma_wait3A_122, %dma_wait3A_123] : memref<100000x128xf32, #tpu.memory_space<hbm>> -> memref<100000x128xf32, #tpu.memory_space<hbm>>
      tpu.wait_indirect_dma semaphore(%arg17 : memref<!tpu.dma_semaphore, #tpu.memory_space<semaphore_mem>>) src(%dma_wait3A_124 : memref<100000x128xf32, #tpu.memory_space<hbm>>) dst(%arg9 : memref<64x128xf32, #tpu.memory_space<vmem>>)
      %add3A_125 = arith.constant 4 : i32
      %add3A_126 = arith.addi %add3A_67, %add3A_125 : i32
      %add3A_127 = arith.constant 6 : i32
      %add3A_128 = arith.addi %add3A_126, %add3A_127 : i32
      %lt3A_129 = arith.constant 400 : i32
      %lt3A_130 = arith.cmpi slt, %add3A_128, %lt3A_129 : i32
      %convert_element_type3A_131 = arith.extui %lt3A_130 : i1 to i32
      %cond3A_132 = arith.constant 0 : i32
      %cond3A_133 = arith.cmpi ne, %convert_element_type3A_131, %cond3A_132 : i32
      scf.if %cond3A_133 {
        %dma_start3A_185 = arith.constant 0 : i32
        %dma_start3A_186 = tpu.memref_slice %arg5[%add3A_128, %dma_start3A_185] : memref<400x64xi32, #tpu.memory_space<vmem>> -> memref<1x64xi32, #tpu.memory_space<vmem>>
        %dma_start3A_187 = tpu.memref_squeeze %dma_start3A_186 : memref<1x64xi32, #tpu.memory_space<vmem>> -> memref<64xi32, #tpu.memory_space<vmem>>
        %dma_start3A_188 = arith.constant 0 : i32
        %dma_start3A_189 = arith.constant 0 : i32
        %dma_start3A_190 = tpu.memref_slice %arg3[%dma_start3A_188, %dma_start3A_189] : memref<100000x128xf32, #tpu.memory_space<hbm>> -> memref<100000x128xf32, #tpu.memory_space<hbm>>
        tpu.enqueue_indirect_dma source(%dma_start3A_190 : memref<100000x128xf32, #tpu.memory_space<hbm>>) target(%arg8 : memref<64x128xf32, #tpu.memory_space<vmem>>) offsets(%dma_start3A_187 : memref<64xi32, #tpu.memory_space<vmem>>) semaphore(%arg16 : memref<!tpu.dma_semaphore, #tpu.memory_space<semaphore_mem>>)
      } else {
      }
      %dma_wait3A_134 = arith.constant 0 : i32
      %dma_wait3A_135 = tpu.memref_slice %arg5[%add3A_126, %dma_wait3A_134] : memref<400x64xi32, #tpu.memory_space<vmem>> -> memref<1x64xi32, #tpu.memory_space<vmem>>
      %dma_wait3A_136 = tpu.memref_squeeze %dma_wait3A_135 : memref<1x64xi32, #tpu.memory_space<vmem>> -> memref<64xi32, #tpu.memory_space<vmem>>
      %dma_wait3A_137 = arith.constant 0 : i32
      %dma_wait3A_138 = arith.constant 0 : i32
      %dma_wait3A_139 = tpu.memref_slice %arg3[%dma_wait3A_137, %dma_wait3A_138] : memref<100000x128xf32, #tpu.memory_space<hbm>> -> memref<100000x128xf32, #tpu.memory_space<hbm>>
      tpu.wait_indirect_dma semaphore(%arg18 : memref<!tpu.dma_semaphore, #tpu.memory_space<semaphore_mem>>) src(%dma_wait3A_139 : memref<100000x128xf32, #tpu.memory_space<hbm>>) dst(%arg10 : memref<64x128xf32, #tpu.memory_space<vmem>>)
      %add3A_140 = arith.constant 5 : i32
      %add3A_141 = arith.addi %add3A_67, %add3A_140 : i32
      %add3A_142 = arith.constant 6 : i32
      %add3A_143 = arith.addi %add3A_141, %add3A_142 : i32
      %lt3A_144 = arith.constant 400 : i32
      %lt3A_145 = arith.cmpi slt, %add3A_143, %lt3A_144 : i32
      %convert_element_type3A_146 = arith.extui %lt3A_145 : i1 to i32
      %cond3A_147 = arith.constant 0 : i32
      %cond3A_148 = arith.cmpi ne, %convert_element_type3A_146, %cond3A_147 : i32
      scf.if %cond3A_148 {
        %dma_start3A_185 = arith.constant 0 : i32
        %dma_start3A_186 = tpu.memref_slice %arg5[%add3A_143, %dma_start3A_185] : memref<400x64xi32, #tpu.memory_space<vmem>> -> memref<1x64xi32, #tpu.memory_space<vmem>>
        %dma_start3A_187 = tpu.memref_squeeze %dma_start3A_186 : memref<1x64xi32, #tpu.memory_space<vmem>> -> memref<64xi32, #tpu.memory_space<vmem>>
        %dma_start3A_188 = arith.constant 0 : i32
        %dma_start3A_189 = arith.constant 0 : i32
        %dma_start3A_190 = tpu.memref_slice %arg3[%dma_start3A_188, %dma_start3A_189] : memref<100000x128xf32, #tpu.memory_space<hbm>> -> memref<100000x128xf32, #tpu.memory_space<hbm>>
        tpu.enqueue_indirect_dma source(%dma_start3A_190 : memref<100000x128xf32, #tpu.memory_space<hbm>>) target(%arg9 : memref<64x128xf32, #tpu.memory_space<vmem>>) offsets(%dma_start3A_187 : memref<64xi32, #tpu.memory_space<vmem>>) semaphore(%arg17 : memref<!tpu.dma_semaphore, #tpu.memory_space<semaphore_mem>>)
      } else {
      }
      %dma_wait3A_149 = arith.constant 0 : i32
      %dma_wait3A_150 = tpu.memref_slice %arg5[%add3A_141, %dma_wait3A_149] : memref<400x64xi32, #tpu.memory_space<vmem>> -> memref<1x64xi32, #tpu.memory_space<vmem>>
      %dma_wait3A_151 = tpu.memref_squeeze %dma_wait3A_150 : memref<1x64xi32, #tpu.memory_space<vmem>> -> memref<64xi32, #tpu.memory_space<vmem>>
      %dma_wait3A_152 = arith.constant 0 : i32
      %dma_wait3A_153 = arith.constant 0 : i32
      %dma_wait3A_154 = tpu.memref_slice %arg3[%dma_wait3A_152, %dma_wait3A_153] : memref<100000x128xf32, #tpu.memory_space<hbm>> -> memref<100000x128xf32, #tpu.memory_space<hbm>>
      tpu.wait_indirect_dma semaphore(%arg19 : memref<!tpu.dma_semaphore, #tpu.memory_space<semaphore_mem>>) src(%dma_wait3A_154 : memref<100000x128xf32, #tpu.memory_space<hbm>>) dst(%arg11 : memref<64x128xf32, #tpu.memory_space<vmem>>)
      %add3A_155 = arith.constant 6 : i32
      %add3A_156 = arith.addi %add3A_67, %add3A_155 : i32
      %add3A_157 = arith.constant 6 : i32
      %add3A_158 = arith.addi %add3A_156, %add3A_157 : i32
      %lt3A_159 = arith.constant 400 : i32
      %lt3A_160 = arith.cmpi slt, %add3A_158, %lt3A_159 : i32
      %convert_element_type3A_161 = arith.extui %lt3A_160 : i1 to i32
      %cond3A_162 = arith.constant 0 : i32
      %cond3A_163 = arith.cmpi ne, %convert_element_type3A_161, %cond3A_162 : i32
      scf.if %cond3A_163 {
        %dma_start3A_185 = arith.constant 0 : i32
        %dma_start3A_186 = tpu.memref_slice %arg5[%add3A_158, %dma_start3A_185] : memref<400x64xi32, #tpu.memory_space<vmem>> -> memref<1x64xi32, #tpu.memory_space<vmem>>
        %dma_start3A_187 = tpu.memref_squeeze %dma_start3A_186 : memref<1x64xi32, #tpu.memory_space<vmem>> -> memref<64xi32, #tpu.memory_space<vmem>>
        %dma_start3A_188 = arith.constant 0 : i32
        %dma_start3A_189 = arith.constant 0 : i32
        %dma_start3A_190 = tpu.memref_slice %arg3[%dma_start3A_188, %dma_start3A_189] : memref<100000x128xf32, #tpu.memory_space<hbm>> -> memref<100000x128xf32, #tpu.memory_space<hbm>>
        tpu.enqueue_indirect_dma source(%dma_start3A_190 : memref<100000x128xf32, #tpu.memory_space<hbm>>) target(%arg10 : memref<64x128xf32, #tpu.memory_space<vmem>>) offsets(%dma_start3A_187 : memref<64xi32, #tpu.memory_space<vmem>>) semaphore(%arg18 : memref<!tpu.dma_semaphore, #tpu.memory_space<semaphore_mem>>)
      } else {
      }
      %dma_wait3A_164 = arith.constant 0 : i32
      %dma_wait3A_165 = tpu.memref_slice %arg5[%add3A_156, %dma_wait3A_164] : memref<400x64xi32, #tpu.memory_space<vmem>> -> memref<1x64xi32, #tpu.memory_space<vmem>>
      %dma_wait3A_166 = tpu.memref_squeeze %dma_wait3A_165 : memref<1x64xi32, #tpu.memory_space<vmem>> -> memref<64xi32, #tpu.memory_space<vmem>>
      %dma_wait3A_167 = arith.constant 0 : i32
      %dma_wait3A_168 = arith.constant 0 : i32
      %dma_wait3A_169 = tpu.memref_slice %arg3[%dma_wait3A_167, %dma_wait3A_168] : memref<100000x128xf32, #tpu.memory_space<hbm>> -> memref<100000x128xf32, #tpu.memory_space<hbm>>
      tpu.wait_indirect_dma semaphore(%arg20 : memref<!tpu.dma_semaphore, #tpu.memory_space<semaphore_mem>>) src(%dma_wait3A_169 : memref<100000x128xf32, #tpu.memory_space<hbm>>) dst(%arg12 : memref<64x128xf32, #tpu.memory_space<vmem>>)
      %add3A_170 = arith.constant 7 : i32
      %add3A_171 = arith.addi %add3A_67, %add3A_170 : i32
      %add3A_172 = arith.constant 6 : i32
      %add3A_173 = arith.addi %add3A_171, %add3A_172 : i32
      %lt3A_174 = arith.constant 400 : i32
      %lt3A_175 = arith.cmpi slt, %add3A_173, %lt3A_174 : i32
      %convert_element_type3A_176 = arith.extui %lt3A_175 : i1 to i32
      %cond3A_177 = arith.constant 0 : i32
      %cond3A_178 = arith.cmpi ne, %convert_element_type3A_176, %cond3A_177 : i32
      scf.if %cond3A_178 {
        %dma_start3A_185 = arith.constant 0 : i32
        %dma_start3A_186 = tpu.memref_slice %arg5[%add3A_173, %dma_start3A_185] : memref<400x64xi32, #tpu.memory_space<vmem>> -> memref<1x64xi32, #tpu.memory_space<vmem>>
        %dma_start3A_187 = tpu.memref_squeeze %dma_start3A_186 : memref<1x64xi32, #tpu.memory_space<vmem>> -> memref<64xi32, #tpu.memory_space<vmem>>
        %dma_start3A_188 = arith.constant 0 : i32
        %dma_start3A_189 = arith.constant 0 : i32
        %dma_start3A_190 = tpu.memref_slice %arg3[%dma_start3A_188, %dma_start3A_189] : memref<100000x128xf32, #tpu.memory_space<hbm>> -> memref<100000x128xf32, #tpu.memory_space<hbm>>
        tpu.enqueue_indirect_dma source(%dma_start3A_190 : memref<100000x128xf32, #tpu.memory_space<hbm>>) target(%arg11 : memref<64x128xf32, #tpu.memory_space<vmem>>) offsets(%dma_start3A_187 : memref<64xi32, #tpu.memory_space<vmem>>) semaphore(%arg19 : memref<!tpu.dma_semaphore, #tpu.memory_space<semaphore_mem>>)
      } else {
      }
      %dma_wait3A_179 = arith.constant 0 : i32
      %dma_wait3A_180 = tpu.memref_slice %arg5[%add3A_171, %dma_wait3A_179] : memref<400x64xi32, #tpu.memory_space<vmem>> -> memref<1x64xi32, #tpu.memory_space<vmem>>
      %dma_wait3A_181 = tpu.memref_squeeze %dma_wait3A_180 : memref<1x64xi32, #tpu.memory_space<vmem>> -> memref<64xi32, #tpu.memory_space<vmem>>
      %dma_wait3A_182 = arith.constant 0 : i32
      %dma_wait3A_183 = arith.constant 0 : i32
      %dma_wait3A_184 = tpu.memref_slice %arg3[%dma_wait3A_182, %dma_wait3A_183] : memref<100000x128xf32, #tpu.memory_space<hbm>> -> memref<100000x128xf32, #tpu.memory_space<hbm>>
      tpu.wait_indirect_dma semaphore(%arg21 : memref<!tpu.dma_semaphore, #tpu.memory_space<semaphore_mem>>) src(%dma_wait3A_184 : memref<100000x128xf32, #tpu.memory_space<hbm>>) dst(%arg13 : memref<64x128xf32, #tpu.memory_space<vmem>>)
    }
    %scan3A_45 = arith.constant 50 : i32
    %dma_start3A_46 = arith.constant 0 : i32
    %dma_start3A_47 = arith.constant 0 : i32
    %dma_start3A_48 = arith.constant 0 : i32
    %dma_start3A_49 = tpu.memref_slice %arg4[%add3A, %dma_start3A_46, %dma_start3A_47, %dma_start3A_48] : memref<32x400x64x128xf32, #tpu.memory_space<hbm>> -> memref<1x1x64x128xf32, #tpu.memory_space<hbm>>
    %dma_start3A_50 = tpu.memref_squeeze %dma_start3A_49 : memref<1x1x64x128xf32, #tpu.memory_space<hbm>> -> memref<64x128xf32, #tpu.memory_space<hbm>>
    %dma_start3A_51 = arith.constant 0 : i32
    %dma_start3A_52 = arith.constant 0 : i32
    %dma_start3A_53 = tpu.memref_slice %arg4[%add3A, %dma_start3A_46, %dma_start3A_51, %dma_start3A_52] : memref<32x400x64x128xf32, #tpu.memory_space<hbm>> -> memref<1x1x64x128xf32, #tpu.memory_space<hbm>>
    %dma_start3A_54 = tpu.memref_squeeze %dma_start3A_53 : memref<1x1x64x128xf32, #tpu.memory_space<hbm>> -> memref<64x128xf32, #tpu.memory_space<hbm>>
    tpu.enqueue_dma source(%arg6 : memref<64x128xf32, #tpu.memory_space<vmem>>) target(%dma_start3A_54 : memref<64x128xf32, #tpu.memory_space<hbm>>) target_semaphore(%arg14 : memref<!tpu.dma_semaphore, #tpu.memory_space<semaphore_mem>>)
    %dma_wait3A = arith.constant 0 : i32
    %dma_wait3A_55 = arith.constant 0 : i32
    %dma_wait3A_56 = arith.constant 0 : i32
    %dma_wait3A_57 = tpu.memref_slice %arg4[%add3A, %dma_wait3A, %dma_wait3A_55, %dma_wait3A_56] : memref<32x400x64x128xf32, #tpu.memory_space<hbm>> -> memref<1x1x64x128xf32, #tpu.memory_space<hbm>>
    %dma_wait3A_58 = tpu.memref_squeeze %dma_wait3A_57 : memref<1x1x64x128xf32, #tpu.memory_space<hbm>> -> memref<64x128xf32, #tpu.memory_space<hbm>>
    %dma_wait3A_59 = arith.constant 0 : i32
    %dma_wait3A_60 = arith.constant 0 : i32
    %dma_wait3A_61 = tpu.memref_slice %arg4[%add3A, %dma_wait3A, %dma_wait3A_59, %dma_wait3A_60] : memref<32x400x64x128xf32, #tpu.memory_space<hbm>> -> memref<1x1x64x128xf32, #tpu.memory_space<hbm>>
    %dma_wait3A_62 = tpu.memref_squeeze %dma_wait3A_61 : memref<1x1x64x128xf32, #tpu.memory_space<hbm>> -> memref<64x128xf32, #tpu.memory_space<hbm>>
    tpu.wait_dma2 semaphore(%arg14 : memref<!tpu.dma_semaphore, #tpu.memory_space<semaphore_mem>>) src(%arg6 : memref<64x128xf32, #tpu.memory_space<vmem>>) dst(%dma_wait3A_62 : memref<64x128xf32, #tpu.memory_space<hbm>>)
    return
  }
}

</mosaic_0001>

<sc_bundles>
// kernel: kernel.3.cloned.1.call-start
scs
__scs_entry_jumppad:
0x0: {  	(pc) =	sbr.rel $0x88, $3  }
0x1: {  	(tag) =	ssettag $0x0;
	lr =	simm.s32 $0x1  }
0x2: {  	[smem:$0x3F9F] =	sst lr;
	_ =	strace $0xD0000000  }
0x3: {  	_ = 	snop  }
0x4: {  	_ = 	snop  }
0x5: {  	_ = 	snop  }
0x6: {  	_ = 	snop  }
0x7: {  	_ = 	snop  }
__scs_overlays_trampoline_lowered:
0x8: {  	[smem:$0x3FAE] =	sst s0  }
0x9: {  	[smem:$0x3FAF] =	sst s1  }
0xa: {  	[smem:$0x3FB0] =	sst s2  }
0xb: {  	[smem:$0x3FB1] =	sst s3  }
0xc: {  	[smem:$0x3FB2] =	sst s4  }
0xd: {  	[smem:$0x3FB3] =	sst s5  }
0xe: {  	[smem:$0x3FB4] =	sst s6  }
0xf: {  	[smem:$0x3FB5] =	sst s7  }
0x10: {  	[smem:$0x3FB6] =	sst s8  }
0x11: {  	[smem:$0x3FB7] =	sst s9;
	s0 =	simm.s32 @!p0 $0x0  }
0x12: {  	s1 =	sld [smem:$0x3F9D];
	s0 =	simm.s32 @p0 $0x1  }
0x13: {  	[smem:$0x3FB8] =	sst s0;
	s0 =	simm.s32 @!p1 $0x0  }
0x14: {  	s2 =	sld [smem:$0x3F9C];
	s0 =	simm.s32 @p1 $0x1  }
0x15: {  	[smem:$0x3FB9] =	sst s0;
	s0 =	simm.s32 @!p2 $0x0  }
0x16: {  	s3 =	sld [smem:$0x3FDB];
	s0 =	simm.s32 @p2 $0x1  }
0x17: {  	s4 =	simm.s32 $0x1BF5;
	[smem:$0x3FBB] =	sst s0  }
0x18: {  	s0 =	sld [smem:$0x3F9E];
	_ =	swait.ge [sflag:s4], $0x0  }
0x19: {  	s7 =	sld [smem:$0x3F9F]  }
0x1a: {  	s8 =	sadd.s32 $0xFFFFE003, lr  }
0x1b: {  	s9 =	sadd.s32 $0xFFFFFEF7, lr;
	s5 =	simm.s32 $0xFFFFFFFF;
	p2 =	slt.u32 s8, $0xFFFFF086  }
0x1c: {  	p1 =	slt.u32 s9, $0xF7A;
	s5 =	simm.s32 @!p2 $0x0  }
0x1d: {  	s5 =	simm.s32 @p1 $0x1;
	p0 =	seq.s32 s7, s2  }
0x1e: {  	s7 =	smul.u32 @!p0 $0xF7A, s2;
	p2 =	seq.s32 @!p0 s5, $0x0  }
0x1f: {  	s9 =	smul.u32 $0xF7A, s1;
	s8 =	simm.s32 @!p0 $0x1BF5;
	p2 =	por !p2, p0  }
0x20: {  	[sflag:s8] =	ssyncset.s32 @!p0 $0xFFFFF086;
	s6 =	sadd.s32 @!p0 s3, s7;
	s7 =	simm.s32 @!p0 $0x108  }
0x21: {  	s3 =	sadd.s32 s3, s9;
	s6 =	sadd.s32 @!p0 $0x88, s6;
	s7 =	simm.s32 @p2 $0x1082  }
0x22: {  	[simem:s7], [sflag:s8] =	dma.local @!p0 [hbm:s6], $0xF7A  }
0x23: {  	s9 =	sor.u32 $0xD0000000, s2;
	s6 =	simm.s32 $0x108;
	_ =	swait.ge @!p0 [sflag:s8], $0x0  }
0x24: {  	s3 =	sadd.s32 $0x88, s3;
	s6 =	simm.s32 @!p1 $0x1082;
	[sflag:s4] =	ssyncset.s32 $0xFFFFF086  }
0x25: {  	[simem:s6], [sflag:s4] =	dma.local [hbm:s3], $0xF7A  }
0x26: {  	[smem:$0x3F9F] =	sst s1;
	(tag) =	ssettag s2;
	_ =	strace s9  }
0x27: {  	s1 =	sld [smem:$0x3FAF]  }
0x28: {  	s2 =	sld [smem:$0x3FB0]  }
0x29: {  	s4 =	sld [smem:$0x3FB2]  }
0x2a: {  	p0 =	seq.s32 s5, $0x0;
	s5 =	sld [smem:$0x3FB3]  }
0x2b: {  	s6 =	sld [smem:$0x3FB4]  }
0x2c: {  	s7 =	sld [smem:$0x3FB5]  }
0x2d: {  	s3 =	simm.s32 $0x108;
	s8 =	sld [smem:$0x3FB6]  }
0x2e: {  	s3 =	simm.s32 @!p0 $0x1082;
	s9 =	sld [smem:$0x3FB7]  }
0x2f: {  	lr =	sadd.s32 s0, s3;
	s0 =	sld [smem:$0x3FAE]  }
0x30: {  	s3 =	sld [smem:$0x3FB1]  }
0x31: {  	[smem:$0x3FBA] =	sst s10  }
0x32: {  	s10 =	sld [smem:$0x3FB8];
	_ =	sdelay $0x3  }
0x33: {  	p0 =	seq.s32 s10, $0x1;
	s10 =	sld [smem:$0x3FBA];
	_ =	sdelay $0x3  }
0x34: {  	[smem:$0x3FBA] =	sst s10  }
0x35: {  	s10 =	sld [smem:$0x3FB9];
	_ =	sdelay $0x3  }
0x36: {  	p1 =	seq.s32 s10, $0x1;
	s10 =	sld [smem:$0x3FBA];
	_ =	sdelay $0x3  }
0x37: {  	[smem:$0x3FBA] =	sst s10  }
0x38: {  	s10 =	sld [smem:$0x3FBB]  }
0x39: {  	_ = 	snop;
	(pc) =	sbr.ind lr, $3  }
0x3a: {  	_ = 	snop  }
0x3b: {  	_ = 	snop  }
0x3c: {  	p2 =	seq.s32 s10, $0x1;
	s10 =	sld [smem:$0x3FBA]  }
0x3d: {  	_ =	shalt  }
0x3e: {  	_ =	shalt  }
0x3f: {  	_ =	shalt  }
0x40: {  	_ =	shalt  }
0x41: {  	_ =	shalt  }
0x42: {  	_ =	shalt  }
0x43: {  	_ =	shalt  }
0x44: {  	_ =	shalt  }
0x45: {  	_ =	shalt  }
0x46: {  	_ =	shalt  }
0x47: {  	_ =	shalt  }
0x48: {  	_ =	shalt  }
0x49: {  	_ =	shalt  }
0x4a: {  	_ =	shalt  }
0x4b: {  	_ =	shalt  }
0x4c: {  	_ =	shalt  }
0x4d: {  	_ =	shalt  }
0x4e: {  	_ =	shalt  }
0x4f: {  	_ =	shalt  }
0x50: {  	_ =	shalt  }
0x51: {  	_ =	shalt  }
0x52: {  	_ =	shalt  }
0x53: {  	_ =	shalt  }
0x54: {  	_ =	shalt  }
0x55: {  	_ =	shalt  }
0x56: {  	_ =	shalt  }
0x57: {  	_ =	shalt  }
0x58: {  	_ =	shalt  }
0x59: {  	_ =	shalt  }
0x5a: {  	_ =	shalt  }
0x5b: {  	_ =	shalt  }
0x5c: {  	_ =	shalt  }
0x5d: {  	_ =	shalt  }
0x5e: {  	_ =	shalt  }
0x5f: {  	_ =	shalt  }
0x60: {  	_ =	shalt  }
0x61: {  	_ =	shalt  }
0x62: {  	_ =	shalt  }
0x63: {  	_ =	shalt  }
0x64: {  	_ =	shalt  }
0x65: {  	_ =	shalt  }
0x66: {  	_ =	shalt  }
0x67: {  	_ =	shalt  }
0x68: {  	_ =	shalt  }
0x69: {  	_ =	shalt  }
0x6a: {  	_ =	shalt  }
0x6b: {  	_ =	shalt  }
0x6c: {  	_ =	shalt  }
0x6d: {  	_ =	shalt  }
0x6e: {  	_ =	shalt  }
0x6f: {  	_ =	shalt  }
0x70: {  	_ =	shalt  }
0x71: {  	_ =	shalt  }
0x72: {  	_ =	shalt  }
0x73: {  	_ =	shalt  }
0x74: {  	_ =	shalt  }
0x75: {  	_ =	shalt  }
0x76: {  	_ =	shalt  }
0x77: {  	_ =	shalt  }
0x78: {  	_ =	shalt  }
0x79: {  	_ =	shalt  }
0x7a: {  	_ =	shalt  }
0x7b: {  	_ =	shalt  }
0x7c: {  	_ =	shalt  }
0x7d: {  	_ =	shalt  }
0x7e: {  	_ =	shalt  }
0x7f: {  	_ =	shalt  }
0x80: {  	_ =	shalt  }
0x81: {  	_ =	shalt  }
0x82: {  	_ =	shalt  }
0x83: {  	_ =	shalt  }
0x84: {  	_ =	shalt  }
0x85: {  	_ =	shalt  }
0x86: {  	_ =	shalt  }
0x87: {  	_ =	shalt  }
.Lfunc_end0:
.L_simem_size_0:
called_computation_lowered:
.L_overlay_start_0:
0x88: {  	s2 =	sld [smem:$0x3FD9]  }
0x89: {  	s3 =	sld [smem:$0x3FFE];
	_ =	sdelay $0x1  }
0x8a: {  	s1 =	srdreg.scid  }
0x8b: {  	s0 =	sand.u32 $0x1, s1  }
0x8c: {  	s17 =	sshll.u32 s0, $0xA;
	s2 =	sadd.s32 s3, s2  }
0x8d: {  	s2 =	sadd.s32 s2, s17  }
0x8e: {  	[smem:$0x3FC6] =	sst s2  }
0x8f: {  	_ = 	snop  }
0x90: {  	s2 =	sld [smem:$0x3FC8]  }
0x91: {  	s18 =	sld [smem:$0x3FD0];
	(tm) =	ssettm $0x1  }
0x92: {  	s4 =	sld [smem:$0x3FFB];
	_ =	sdelay $0x3  }
0x93: {  	_ =	strace s4  }
0x94: {  	s4 =	sld [smem:$0x3FFC];
	_ =	sdelay $0x3  }
0x95: {  	_ =	strace s4  }
0x96: {  	s4 =	sld [smem:$0x3FFD];
	_ =	sdelay $0x3  }
0x97: {  	_ =	strace s4  }
0x98: {  	_ =	strace $0x8FFFFFFF  }
0x99: {  	s19 =	sld [smem:$0x3FDB];
	_ =	sdelay $0x1  }
0x9a: {  	s5 =	simm.s32 $_scs_section_size  }
0x9b: {  	s6 =	simm.s32 $_size__tile_overlayer_lowered;
	s7 =	simm.s32 $_tile_overlayer_lowered  }
0x9c: {  	s22 =	simm.s32 $0x1BFF;
	s21 =	sshll.u32 s7, $0x1;
	s4 =	sadd.s32 s5, s19  }
0x9d: {  	s8 =	simm.s32 $0x0;
	s20 =	sshll.u32 s6, $0x1;
	s6 =	sadd.s32 s21, s4  }
0x9e: {  	[timem:s8], [sflag:s22] =	dma.local [hbm:s6], s20  }
0x9f: {  	_ =	swait.ge [sflag:s22], s20  }
0xa0: {  	s5 =	ssub.s32 $0x0, s20;
	[sflag:s22] =	ssyncset.done $0x0  }
0xa1: {  	[sflag:s22] =	ssyncadd.s32 s5;
	_ =	sdelay $0x1  }
0xa2: {  	s23 =	simm.s32 $0x1B8B  }
0xa3: {  	_ =	swait.ge [sflag:s23], $0x1  }
0xa4: {  	[sflag:s23] =	ssyncset.done $0x0  }
0xa5: {  	s25 =	simm.s32 $0x1B8E;
	s24 =	sld [smem:$0x3FFE];
	[sflag:s23] =	ssyncadd.s32 $0xFFFFFFFF  }
0xa6: {  	s26 =	simm.s32 $execute0_lowered;
	[smem:$0x3FD2] =	sst s25  }
0xa7: {  	s6 =	sshll.u32 s26, $0x1;
	_ =	strace $0x80000046;
	[dreg:$0x1] =	wrdreg $0xFFFFFFFF  }
0xa8: {  	s28 =	simm.s32 $_size_execute0_lowered;
	s4 =	sadd.s32 s4, s6;
	[dreg:$0x0] =	wrdreg $0x0  }
0xa9: {  	s6 =	sshll.u32 s28, $0x1;
	[dreg:$0x2] =	wrdreg s4  }
0xaa: {  	[dreg:$0x3] =	wrdreg s6  }
0xab: {  	[dreg:$0x4] =	wrdreg $0xC0  }
0xac: {  	_ =	task [dreg:s8], $0x5FFFF  }
0xad: {  	[dreg:$0x1] =	wrdreg $0xFFFFFFFF  }
0xae: {  	[dreg:$0x0] =	wrdreg $0x60  }
0xaf: {  	[dreg:$0x2] =	wrdreg s24  }
0xb0: {  	[dreg:$0x3] =	wrdreg s2  }
0xb1: {  	[dreg:$0x4] =	wrdreg s18  }
0xb2: {  	[dreg:$0x5] =	wrdreg $0x9  }
0xb3: {  	_ =	task.clear_ibuf [dreg:s8], $0x6FFFF;
	_ =	strace $0x90000046  }
0xb4: {  	s29 =	simm.s32 $0x9;
	_ =	strace $0x80000048  }
0xb5: {  	_ =	swait.ge [sflag:s29], $0x1  }
0xb6: {  	[sflag:s29] =	ssyncadd.s32 $0xFFFFFFFF  }
0xb7: {  	_ =	strace $0x90000048  }
0xb8: {  	_ =	sfence  }
0xb9: {  	s30 =	sld [smem:$0x0];
	_ =	sdelay $0x2  }
0xba: {  	s31 =	sshll.u32 s1, $0xD;
	s1 =	sshrl.u32 s1, $0x2  }
0xbb: {  	s3 =	sand.u32 $0x4000, s31;
	s1 =	sadd.s32 s1, s30  }
0xbc: {  	s0 =	sor.u32 s3, s0;
	s1 =	sshll.u32 s1, $0x11  }
0xbd: {  	s0 =	sor.u32 s1, s0  }
0xbe: {  	s0 =	sadd.s32 $0x8F2B, s0  }
0xbf: {  	[sflag:s0] =	ssyncadd.remote.s32 $0x1  }
0xc0: {  	_ =	sfence.sel $0xFFFF  }
0xc1: {  	[dreg:$0x0] =	wrdreg $0xFFFFFFFF;
	(pc) =	sbr.abs _section_cstart, $3  }
0xc2: {  	[dreg:$0x1] =	wrdreg $0xFFFFFFFF  }
0xc3: {  	_ =	task.clear_ibuf [dreg:s8], $0x2FFFF;
	_ =	strace $0x9FFFFFFF  }
0xc4: {  	(tm) =	ssettm $0x7FFFFFFF  }
0xc5: {  	_ =	shalt  }
tec
execute0_lowered:
.L_overlay_start_1:
0x0: {  	(tag) =	ssettag $0x1  }
0x1: {  	s0 =	rddreg [dreg:$0x0]  }
0x2: {  	s1 =	srdreg.scid;
	s2 =	rddreg [dreg:$0x1]  }
0x3: {  	s3 =	stileid.u32;
	s5 =	rddreg [dreg:$0x2]  }
0x4: {  	s8 =	simm.s32 $0x40;
	s9 =	simm.s32 $0xC800;
	s11 =	simm.s32 $0xE800  }
0x5: {  	s13 =	simm.s32 $0x10800;
	s15 =	simm.s32 $0x12800;
	s17 =	simm.s32 $0x14800  }
0x6: {  	s19 =	simm.s32 $0x16800;
	s20 =	simm.s32 $0x18800;
	s21 =	simm.s32 $0x1  }
0x7: {  	s22 =	simm.s32 $0x1A800;
	s23 =	simm.s32 $0x2;
	s24 =	simm.s32 $0x3  }
0x8: {  	s25 =	simm.s32 $0x4;
	s28 =	simm.s32 $0x6;
	s29 =	simm.s32 $0x7  }
0x9: {  	s30 =	simm.s32 $0x8;
	s1 =	sand.u32 $0x1, s1;
	s3 =	sshll.u32 s3, $0x1  }
0xa: {  	s31 =	simm.s32 $0xC700;
	s4 =	sor.u32 s1, s3;
	s3 =	simm.s32 $0x0  }
0xb: {  	s1 =	ssub.s32 $0x2, s1;
	s6 =	smul.u32 $0x1900, s4;
	[smem:$0x7FF] =	sst s3  }
0xc: {  	s7 =	smul.u32 $0x64000, s4;
	s26 =	sshrl.u32 s1, $0x1;
	_ =	strace $0x80000047  }
0xd: {  	s1 =	ssub.s32 s1, s26;
	s26 =	simm.s32 $0x5;
	s0 =	sadd.s32 s6, s0  }
0xe: {  	s5 =	sadd.s32 s5, s7;
	s6 =	smax.u32 s1, $0x1;
	s7 =	simm.s32 $0x9  }
0xf: {  	s1 =	simm.s32 $0xC780;
	s4 =	sadd.s32 $0x400, s0;
	s0 =	simm.s32 $0x0  }
.LBB2_1:
0x10: {  	[tilespmem:s3], [sflag:$0x9] =	stream.linear.gather [hbm4b:s4+s3], $0xC800, $0x38;
	[tilespmem:$0x1C800] =	vst v63  }
0x11: {  	_ =	swait.ge [sflag:s7], $0xC800  }
0x12: {  	[sflag:s7] =	ssyncset.done $0x0  }
0x13: {  	[sflag:s7] =	ssyncadd.s32 $0xFFFF3800  }
0x14: {  	[tilespmem:s9], [sflag:$0x1] =	stream.indirect.gather [hbm4b:s2+s8], $0x80, s3, s8, $0xb8;
	[tilespmem:$0x1C800] =	vst v63  }
0x15: {  	s10 =	simm.s32 $0x80  }
0x16: {  	[tilespmem:s11], [sflag:$0x2] =	stream.indirect.gather [hbm4b:s2+s8], $0x80, s10, s8, $0xb8;
	[tilespmem:$0x1C800] =	vst v63  }
0x17: {  	s12 =	simm.s32 $0x100  }
0x18: {  	[tilespmem:s13], [sflag:$0x3] =	stream.indirect.gather [hbm4b:s2+s8], $0x80, s12, s8, $0xb8;
	[tilespmem:$0x1C800] =	vst v63  }
0x19: {  	s14 =	simm.s32 $0x180  }
0x1a: {  	[tilespmem:s15], [sflag:$0x4] =	stream.indirect.gather [hbm4b:s2+s8], $0x80, s14, s8, $0xb8;
	[tilespmem:$0x1C800] =	vst v63  }
0x1b: {  	s16 =	simm.s32 $0x200  }
0x1c: {  	[tilespmem:s17], [sflag:$0x5] =	stream.indirect.gather [hbm4b:s2+s8], $0x80, s16, s8, $0xb8;
	[tilespmem:$0x1C800] =	vst v63  }
0x1d: {  	s18 =	simm.s32 $0x280  }
0x1e: {  	[tilespmem:s19], [sflag:$0x6] =	stream.indirect.gather [hbm4b:s2+s8], $0x80, s18, s8, $0xb8;
	[tilespmem:$0x1C800] =	vst v63  }
0x1f: {  	s12 =	simm.s32 $0x300  }
0x20: {  	[tilespmem:s20], [sflag:$0x7] =	stream.indirect.gather [hbm4b:s2+s8], $0x80, s12, s8, $0xb8;
	[tilespmem:$0x1C800] =	vst v63  }
0x21: {  	_ =	swait.ge [sflag:s21], $0x2000  }
0x22: {  	[sflag:s21] =	ssyncset.done $0x0  }
0x23: {  	s14 =	simm.s32 $0x380;
	[sflag:s21] =	ssyncadd.s32 $0xFFFFE000  }
0x24: {  	[tilespmem:s22], [sflag:$0x8] =	stream.indirect.gather [hbm4b:s2+s8], $0x80, s14, s8, $0xb8;
	[tilespmem:$0x1C800] =	vst v63  }
0x25: {  	_ =	swait.ge [sflag:s23], $0x2000  }
0x26: {  	[sflag:s23] =	ssyncset.done $0x0  }
0x27: {  	s16 =	simm.s32 $0x400;
	[sflag:s23] =	ssyncadd.s32 $0xFFFFE000  }
0x28: {  	[tilespmem:s9], [sflag:$0x1] =	stream.indirect.gather [hbm4b:s2+s8], $0x80, s16, s8, $0xb8;
	[tilespmem:$0x1C800] =	vst v63  }
0x29: {  	_ =	swait.ge [sflag:s24], $0x2000  }
0x2a: {  	[sflag:s24] =	ssyncset.done $0x0  }
0x2b: {  	s18 =	simm.s32 $0x480;
	[sflag:s24] =	ssyncadd.s32 $0xFFFFE000  }
0x2c: {  	[tilespmem:s11], [sflag:$0x2] =	stream.indirect.gather [hbm4b:s2+s8], $0x80, s18, s8, $0xb8;
	[tilespmem:$0x1C800] =	vst v63  }
0x2d: {  	_ =	swait.ge [sflag:s25], $0x2000  }
0x2e: {  	[sflag:s25] =	ssyncset.done $0x0  }
0x2f: {  	s12 =	simm.s32 $0x500;
	[sflag:s25] =	ssyncadd.s32 $0xFFFFE000  }
0x30: {  	[tilespmem:s13], [sflag:$0x3] =	stream.indirect.gather [hbm4b:s2+s8], $0x80, s12, s8, $0xb8;
	[tilespmem:$0x1C800] =	vst v63  }
0x31: {  	_ =	swait.ge [sflag:s26], $0x2000  }
0x32: {  	[sflag:s26] =	ssyncset.done $0x0  }
0x33: {  	s14 =	simm.s32 $0x580;
	[sflag:s26] =	ssyncadd.s32 $0xFFFFE000  }
0x34: {  	[tilespmem:s15], [sflag:$0x4] =	stream.indirect.gather [hbm4b:s2+s8], $0x80, s14, s8, $0xb8;
	[tilespmem:$0x1C800] =	vst v63  }
0x35: {  	_ =	swait.ge [sflag:s28], $0x2000  }
0x36: {  	[sflag:s28] =	ssyncset.done $0x0  }
0x37: {  	s16 =	simm.s32 $0x600;
	[sflag:s28] =	ssyncadd.s32 $0xFFFFE000  }
0x38: {  	[tilespmem:s17], [sflag:$0x5] =	stream.indirect.gather [hbm4b:s2+s8], $0x80, s16, s8, $0xb8;
	[tilespmem:$0x1C800] =	vst v63  }
0x39: {  	_ =	swait.ge [sflag:s29], $0x2000  }
0x3a: {  	[sflag:s29] =	ssyncset.done $0x0  }
0x3b: {  	s18 =	simm.s32 $0x680;
	[sflag:s29] =	ssyncadd.s32 $0xFFFFE000  }
0x3c: {  	[tilespmem:s19], [sflag:$0x6] =	stream.indirect.gather [hbm4b:s2+s8], $0x80, s18, s8, $0xb8;
	[tilespmem:$0x1C800] =	vst v63  }
0x3d: {  	_ =	swait.ge [sflag:s30], $0x2000  }
0x3e: {  	s10 =	simm.s32 $0x400;
	s12 =	simm.s32 $0x2000;
	[sflag:s30] =	ssyncset.done $0x0  }
.LBB2_2:
0x3f: {  	s18 =	sadd.s32 $0x300, s10  }
0x40: {  	[sflag:s30] =	ssyncadd.s32 $0xFFFFE000;
	s14 =	smov.u32 s12;
	s16 =	sadd.s32 $0x1000, s12  }
0x41: {  	[tilespmem:s20], [sflag:$0x7] =	stream.indirect.gather [hbm4b:s2+s8], $0x80, s18, s8, $0xb8;
	[tilespmem:$0x1C800] =	vst v63  }
0x42: {  	p0 =	sne.s32 s12, $0x30000;
	_ =	swait.ge [sflag:s21], $0x2000  }
0x43: {  	[sflag:s21] =	ssyncset.done $0x0  }
0x44: {  	s12 =	sadd.s32 $0x380, s10;
	[sflag:s21] =	ssyncadd.s32 $0xFFFFE000  }
0x45: {  	[tilespmem:s22], [sflag:$0x8] =	stream.indirect.gather [hbm4b:s2+s8], $0x80, s12, s8, $0xb8;
	[tilespmem:$0x1C800] =	vst v63  }
0x46: {  	_ =	swait.ge [sflag:s23], $0x2000  }
0x47: {  	[sflag:s23] =	ssyncset.done $0x0  }
0x48: {  	s12 =	sadd.s32 $0x400, s10;
	[sflag:s23] =	ssyncadd.s32 $0xFFFFE000  }
0x49: {  	[tilespmem:s9], [sflag:$0x1] =	stream.indirect.gather [hbm4b:s2+s8], $0x80, s12, s8, $0xb8;
	[tilespmem:$0x1C800] =	vst v63  }
0x4a: {  	_ =	swait.ge [sflag:s24], $0x2000  }
0x4b: {  	[sflag:s24] =	ssyncset.done $0x0  }
0x4c: {  	s12 =	sadd.s32 $0x480, s10;
	[sflag:s24] =	ssyncadd.s32 $0xFFFFE000  }
0x4d: {  	[tilespmem:s11], [sflag:$0x2] =	stream.indirect.gather [hbm4b:s2+s8], $0x80, s12, s8, $0xb8;
	[tilespmem:$0x1C800] =	vst v63  }
0x4e: {  	_ =	swait.ge [sflag:s25], $0x2000  }
0x4f: {  	[sflag:s25] =	ssyncset.done $0x0  }
0x50: {  	s12 =	sadd.s32 $0x500, s10;
	[sflag:s25] =	ssyncadd.s32 $0xFFFFE000  }
0x51: {  	[tilespmem:s13], [sflag:$0x3] =	stream.indirect.gather [hbm4b:s2+s8], $0x80, s12, s8, $0xb8;
	[tilespmem:$0x1C800] =	vst v63  }
0x52: {  	_ =	swait.ge [sflag:s26], $0x2000  }
0x53: {  	[sflag:s26] =	ssyncset.done $0x0  }
0x54: {  	s12 =	sadd.s32 $0x580, s10;
	[sflag:s26] =	ssyncadd.s32 $0xFFFFE000  }
0x55: {  	[tilespmem:s15], [sflag:$0x4] =	stream.indirect.gather [hbm4b:s2+s8], $0x80, s12, s8, $0xb8;
	[tilespmem:$0x1C800] =	vst v63  }
0x56: {  	_ =	swait.ge [sflag:s28], $0x2000  }
0x57: {  	[sflag:s28] =	ssyncset.done $0x0  }
0x58: {  	s12 =	sadd.s32 $0x600, s10;
	[sflag:s28] =	ssyncadd.s32 $0xFFFFE000  }
0x59: {  	[tilespmem:s17], [sflag:$0x5] =	stream.indirect.gather [hbm4b:s2+s8], $0x80, s12, s8, $0xb8;
	[tilespmem:$0x1C800] =	vst v63  }
0x5a: {  	_ =	swait.ge [sflag:s29], $0x2000  }
.Ltmp0:
0x5b: {  	[sflag:s29] =	ssyncset.done $0x0;
	(pc) =	sbr.rel @p0 .LBB2_2-.Ltmp0, $4  }
0x5c: {  	s10 =	sadd.s32 $0x680, s10;
	[sflag:s29] =	ssyncadd.s32 $0xFFFFE000  }
0x5d: {  	[tilespmem:s19], [sflag:$0x6] =	stream.indirect.gather [hbm4b:s2+s8], $0x80, s10, s8, $0xb8;
	[tilespmem:$0x1C800] =	vst v63  }
0x5e: {  	_ =	swait.ge [sflag:s30], $0x2000  }
0x5f: {  	s12 =	smov.u32 s16;
	s10 =	sshra.s32 s14, $0x2;
	[sflag:s30] =	ssyncset.done $0x0  }
0x60: {  	s12 =	sadd.s32 $0x300, s10;
	[sflag:s30] =	ssyncadd.s32 $0xFFFFE000  }
0x61: {  	[tilespmem:s20], [sflag:$0x7] =	stream.indirect.gather [hbm4b:s2+s8], $0x80, s12, s8, $0xb8;
	[tilespmem:$0x1C800] =	vst v63  }
0x62: {  	_ =	swait.ge [sflag:s21], $0x2000  }
0x63: {  	[sflag:s21] =	ssyncset.done $0x0  }
0x64: {  	s18 =	sadd.s32 $0x380, s10;
	[sflag:s21] =	ssyncadd.s32 $0xFFFFE000  }
0x65: {  	[tilespmem:s22], [sflag:$0x8] =	stream.indirect.gather [hbm4b:s2+s8], $0x80, s18, s8, $0xb8;
	[tilespmem:$0x1C800] =	vst v63  }
0x66: {  	_ =	swait.ge [sflag:s23], $0x2000  }
0x67: {  	[sflag:s23] =	ssyncset.done $0x0  }
0x68: {  	s14 =	sadd.s32 $0x400, s10;
	[sflag:s23] =	ssyncadd.s32 $0xFFFFE000  }
0x69: {  	[tilespmem:s9], [sflag:$0x1] =	stream.indirect.gather [hbm4b:s2+s8], $0x80, s14, s8, $0xb8;
	[tilespmem:$0x1C800] =	vst v63  }
0x6a: {  	_ =	swait.ge [sflag:s24], $0x2000  }
0x6b: {  	[sflag:s24] =	ssyncset.done $0x0  }
0x6c: {  	s16 =	sadd.s32 $0x480, s10;
	[sflag:s24] =	ssyncadd.s32 $0xFFFFE000  }
0x6d: {  	[tilespmem:s11], [sflag:$0x2] =	stream.indirect.gather [hbm4b:s2+s8], $0x80, s16, s8, $0xb8;
	[tilespmem:$0x1C800] =	vst v63  }
0x6e: {  	_ =	swait.ge [sflag:s25], $0x2000  }
0x6f: {  	[sflag:s25] =	ssyncset.done $0x0  }
0x70: {  	s18 =	sadd.s32 $0x500, s10;
	[sflag:s25] =	ssyncadd.s32 $0xFFFFE000  }
0x71: {  	[tilespmem:s13], [sflag:$0x3] =	stream.indirect.gather [hbm4b:s2+s8], $0x80, s18, s8, $0xb8;
	[tilespmem:$0x1C800] =	vst v63  }
0x72: {  	_ =	swait.ge [sflag:s26], $0x2000  }
0x73: {  	[sflag:s26] =	ssyncset.done $0x0  }
0x74: {  	s14 =	sadd.s32 $0x580, s10;
	[sflag:s26] =	ssyncadd.s32 $0xFFFFE000  }
0x75: {  	[tilespmem:s15], [sflag:$0x4] =	stream.indirect.gather [hbm4b:s2+s8], $0x80, s14, s8, $0xb8;
	[tilespmem:$0x1C800] =	vst v63  }
0x76: {  	_ =	swait.ge [sflag:s28], $0x2000  }
0x77: {  	[sflag:s28] =	ssyncset.done $0x0  }
0x78: {  	s16 =	sadd.s32 $0x600, s10;
	[sflag:s28] =	ssyncadd.s32 $0xFFFFE000  }
0x79: {  	[tilespmem:s17], [sflag:$0x5] =	stream.indirect.gather [hbm4b:s2+s8], $0x80, s16, s8, $0xb8;
	[tilespmem:$0x1C800] =	vst v63  }
0x7a: {  	_ =	swait.ge [sflag:s29], $0x2000  }
0x7b: {  	[sflag:s29] =	ssyncset.done $0x0  }
0x7c: {  	s18 =	sadd.s32 $0x680, s10;
	[sflag:s29] =	ssyncadd.s32 $0xFFFFE000  }
0x7d: {  	[tilespmem:s19], [sflag:$0x6] =	stream.indirect.gather [hbm4b:s2+s8], $0x80, s18, s8, $0xb8;
	[tilespmem:$0x1C800] =	vst v63  }
0x7e: {  	_ =	swait.ge [sflag:s30], $0x2000  }
0x7f: {  	[sflag:s30] =	ssyncset.done $0x0  }
0x80: {  	[sflag:s30] =	ssyncadd.s32 $0xFFFFE000  }
0x81: {  	[tilespmem:s20], [sflag:$0x7] =	stream.indirect.gather [hbm4b:s2+s8], $0x80, s31, s8, $0xb8;
	[tilespmem:$0x1C800] =	vst v63  }
0x82: {  	_ =	swait.ge [sflag:s21], $0x2000  }
0x83: {  	[sflag:s21] =	ssyncset.done $0x0  }
0x84: {  	[sflag:s21] =	ssyncadd.s32 $0xFFFFE000  }
0x85: {  	[tilespmem:s22], [sflag:$0x8] =	stream.indirect.gather [hbm4b:s2+s8], $0x80, s1, s8, $0xb8;
	[tilespmem:$0x1C800] =	vst v63  }
0x86: {  	_ =	swait.ge [sflag:s23], $0x2000  }
0x87: {  	[sflag:s23] =	ssyncset.done $0x0  }
0x88: {  	[sflag:s23] =	ssyncadd.s32 $0xFFFFE000  }
0x89: {  	_ =	swait.ge [sflag:s24], $0x2000  }
0x8a: {  	[sflag:s24] =	ssyncset.done $0x0  }
0x8b: {  	[sflag:s24] =	ssyncadd.s32 $0xFFFFE000  }
0x8c: {  	_ =	swait.ge [sflag:s25], $0x2000  }
0x8d: {  	[sflag:s25] =	ssyncset.done $0x0  }
0x8e: {  	[sflag:s25] =	ssyncadd.s32 $0xFFFFE000  }
0x8f: {  	_ =	swait.ge [sflag:s26], $0x2000  }
0x90: {  	[sflag:s26] =	ssyncset.done $0x0  }
0x91: {  	[sflag:s26] =	ssyncadd.s32 $0xFFFFE000  }
0x92: {  	_ =	swait.ge [sflag:s28], $0x2000  }
0x93: {  	[sflag:s28] =	ssyncset.done $0x0  }
0x94: {  	[sflag:s28] =	ssyncadd.s32 $0xFFFFE000  }
0x95: {  	_ =	swait.ge [sflag:s29], $0x2000  }
0x96: {  	[sflag:s29] =	ssyncset.done $0x0  }
0x97: {  	[sflag:s29] =	ssyncadd.s32 $0xFFFFE000  }
0x98: {  	s0 =	sadd.s32 $0x1, s0;
	_ =	swait.ge [sflag:s30], $0x2000  }
0x99: {  	p0 =	sne.s32 s0, s6;
	[sflag:s30] =	ssyncset.done $0x0  }
.Ltmp1:
0x9a: {  	[sflag:s30] =	ssyncadd.s32 $0xFFFFE000;
	(pc) =	sbr.rel @p0 .LBB2_1-.Ltmp1, $4  }
0x9b: {  	[hbm4b:s5+s3] =	stream.linear.scatter [tilespmem:s9], [sflag:$0x1], $0x2000, $0x38;
	[tilespmem:$0x1C800] =	vst v63  }
0x9c: {  	_ =	swait.ge [sflag:s21], $0x2000  }
0x9d: {  	[sflag:s21] =	ssyncset.done $0x0  }
0x9e: {  	[sflag:s21] =	ssyncadd.s32 $0xFFFFE000  }
0x9f: {  	_ =	sfence.sel $0x180000  }
0xa0: {  	[bflag:$0x0] =	sbarrier.arrive $0xFFFF  }
0xa1: {  	_ =	strace $0x90000047  }
0xa2: {  	s0 =	stileid.u32;
	[bflag:$0x2] =	sbarrier.arrive $0xFFFF  }
0xa3: {  	p0 =	sne.s32 s0, $0x0;
	s0 =	rddreg [dreg:$0x3]  }
0xa4: {  	s0 =	sadd.s32 @!p0 $0x100000, s0  }
0xa5: {  	[sflag:s0] =	ssyncadd.tile.s32 @!p0 $0x1;
	_ =	shalt  }
.Lfunc_end2:
_tile_overlayer_lowered:
.L_overlay_start_2:
0xa6: {  	(tag) =	ssettag $0x2  }
0xa7: {  	s0 =	rddreg [dreg:$0x0];
	s2 =	stileid.u32  }
0xa8: {  	s1 =	rddreg [dreg:$0x1];
	p0 =	sne.s32 s2, $0x0  }
0xa9: {  	s3 =	rddreg [dreg:$0x2];
	[bflag:$0x3] =	sbarrier.arrive $0xFFFF;
	s2 =	simm.s32 @!p0 $0x1C09  }
0xaa: {  	[timem:s3], [sflag:s2] =	dma.local @!p0 [hbm:s0], s1  }
0xab: {  	s0 =	simm.s32 @!p0 $0x9  }
0xac: {  	_ =	swait.ge @!p0 [sflag:s0], s1  }
0xad: {  	s1 =	ssub.s32 @!p0 $0x0, s1;
	[sflag:s0] =	ssyncset.done @!p0 $0x0  }
0xae: {  	[sflag:s0] =	ssyncadd.s32 @!p0 s1  }
0xaf: {  	[bflag:$0x3] =	sbarrier.arrive $0xFFFF  }
0xb0: {  	_ =	shalt  }

</sc_bundles>
